<compile_context>
chip_gen: v7x
topology: tpu7x:2x2x1
jax: 0.10.2.dev20260603
libtpu: 0.0.44.dev20260713+nightly
codegen_flags: <defaults>
</compile_context>

<pallas_src>
import functools

import jax
import jax.numpy as jnp
from jax import lax
from jax.experimental import pallas as pl
from jax.experimental.pallas import tpu as pltpu
from jax.experimental.pallas import tpu_sc as plsc

_BATCH = 16384
_NUM_SUBCORES = 16
_B_PER_W = _BATCH // _NUM_SUBCORES

_mesh = plsc.VectorSubcoreMesh(core_axis_name="c", subcore_axis_name="s", num_cores=1)

_NCHUNK = _B_PER_W // 128
_CHUNK = 128
_HALF = _NCHUNK // 2


@functools.partial(
    pl.kernel,
    mesh=_mesh,
    out_type=jax.ShapeDtypeStruct((_NUM_SUBCORES, _NCHUNK, _CHUNK), jnp.float32),
    scratch_types=[
        pltpu.VMEM((_NCHUNK, _CHUNK), jnp.int32),
        pltpu.VMEM((_NCHUNK, _CHUNK), jnp.float32),
        pltpu.SemaphoreType.DMA((_NCHUNK,)),
    ],
)
def _gather_sc(idx_hbm, weight_hbm, out_hbm, idx_v, vals_v, sem):
    sid = lax.axis_index("s")
    pltpu.async_copy(idx_hbm.at[sid], idx_v, sem.at[0]).wait()
    gathers = []
    for c in range(_NCHUNK):
        gathers.append(
            pltpu.async_copy(weight_hbm.at[idx_v.at[c]], vals_v.at[c], sem.at[c])
        )
    for c in range(_HALF):
        gathers[c].wait()
    s0 = pltpu.async_copy(
        vals_v.at[pl.ds(0, _HALF)], out_hbm.at[sid, pl.ds(0, _HALF)], sem.at[0]
    )
    for c in range(_HALF, _NCHUNK):
        gathers[c].wait()
    s1 = pltpu.async_copy(
        vals_v.at[pl.ds(_HALF, _HALF)], out_hbm.at[sid, pl.ds(_HALF, _HALF)], sem.at[1]
    )
    s0.wait()
    s1.wait()


@jax.jit
def kernel(idx, weight):
    idx3 = idx.astype(jnp.int32).reshape(_NUM_SUBCORES, _NCHUNK, _CHUNK)
    return _gather_sc(idx3, weight).reshape(_BATCH)

# --- scband reference (transcript-rebuilt; emitter-appended) ---
"""Pipeline reference for scband-data-weight-39573828665767 (READ-ONLY COPY).

The authoritative reference and input builder live on the scoring server;
editing this copy changes nothing except your own understanding.
"""

import jax, jax.numpy as jnp
import numpy as np

DATA_NUM = 1000000
BATCH = 16384

def setup_inputs(seed: int = 0) -> dict:
    key = jax.random.key(seed)
    k_idx, = jax.random.split(key, 1)
    idx = jax.random.randint(k_idx, (BATCH,), 0, DATA_NUM, dtype=jnp.int64 if jax.config.jax_enable_x64 else jnp.int32)
    # learned parameter: per-datapoint scalar weight, initialized to zeros as in the module
    weight = jnp.zeros((DATA_NUM,), dtype=jnp.float32)
    return {"idx": idx, "weight": weight}

def reference(idx, weight):
    # Faithful translation of data_weight.forward: gather scalar weights by index
    return jnp.take(weight, idx, axis=0)

if __name__ == "__main__":
    import jax
    _d = setup_inputs()
    print(jax.jit(kernel)(*tuple(_d.values())))

</pallas_src>

<mosaic_0001>
#map = affine_map<(d0, d1) -> (0, 0, 0)>
#map1 = affine_map<(d0, d1) -> (0)>
module attributes {stable_mosaic.version = 14 : i64} {
  func.func @_gather_sc(%arg0: i32, %arg1: i32, %arg2: memref<16x8x128xi32, #tpu.memory_space<hbm>>, %arg3: memref<1000000xf32, #tpu.memory_space<hbm>>, %arg4: memref<16x8x128xf32, #tpu.memory_space<hbm>>, %arg5: memref<8x128xi32, #tpu.memory_space<vmem>>, %arg6: memref<8x128xf32, #tpu.memory_space<vmem>>, %arg7: memref<8x!tpu.dma_semaphore, #tpu.memory_space<semaphore_mem>>) attributes {dimension_semantics = [#tpu.dimension_semantics<core_parallel>, #tpu.dimension_semantics<subcore_parallel>], iteration_bounds = array<i64: 1, 16>, scalar_prefetch = 0 : i64, scratch_operands = 3 : i64, tpu.core_type = #tpu.core_type<sc_vector_subcore>, window_params = [{transform_indices = #map}, {transform_indices = #map1}, {transform_indices = #map}]} {
    %dma_start3A = arith.constant 0 : i32
    %dma_start3A_0 = arith.constant 0 : i32
    %dma_start3A_1 = arith.constant 0 : i32
    %dma_start3A_2 = tpu.memref_slice %arg2[%arg1, %dma_start3A_0, %dma_start3A_1] : memref<16x8x128xi32, #tpu.memory_space<hbm>> -> memref<1x8x128xi32, #tpu.memory_space<hbm>>
    %dma_start3A_3 = tpu.memref_squeeze %dma_start3A_2 : memref<1x8x128xi32, #tpu.memory_space<hbm>> -> memref<8x128xi32, #tpu.memory_space<hbm>>
    %dma_start3A_4 = tpu.memref_slice %arg7[%dma_start3A] : memref<8x!tpu.dma_semaphore, #tpu.memory_space<semaphore_mem>> -> memref<1x!tpu.dma_semaphore, #tpu.memory_space<semaphore_mem>>
    %dma_start3A_5 = tpu.memref_squeeze %dma_start3A_4 : memref<1x!tpu.dma_semaphore, #tpu.memory_space<semaphore_mem>> -> memref<!tpu.dma_semaphore, #tpu.memory_space<semaphore_mem>>
    %dma_start3A_6 = arith.constant 0 : i32
    %dma_start3A_7 = arith.constant 0 : i32
    %dma_start3A_8 = tpu.memref_slice %arg2[%arg1, %dma_start3A_6, %dma_start3A_7] : memref<16x8x128xi32, #tpu.memory_space<hbm>> -> memref<1x8x128xi32, #tpu.memory_space<hbm>>
    %dma_start3A_9 = tpu.memref_squeeze %dma_start3A_8 : memref<1x8x128xi32, #tpu.memory_space<hbm>> -> memref<8x128xi32, #tpu.memory_space<hbm>>
    tpu.enqueue_dma source(%dma_start3A_9 : memref<8x128xi32, #tpu.memory_space<hbm>>) target(%arg5 : memref<8x128xi32, #tpu.memory_space<vmem>>) target_semaphore(%dma_start3A_5 : memref<!tpu.dma_semaphore, #tpu.memory_space<semaphore_mem>>)
    %dma_wait3A = arith.constant 0 : i32
    %dma_wait3A_10 = arith.constant 0 : i32
    %dma_wait3A_11 = arith.constant 0 : i32
    %dma_wait3A_12 = tpu.memref_slice %arg2[%arg1, %dma_wait3A_10, %dma_wait3A_11] : memref<16x8x128xi32, #tpu.memory_space<hbm>> -> memref<1x8x128xi32, #tpu.memory_space<hbm>>
    %dma_wait3A_13 = tpu.memref_squeeze %dma_wait3A_12 : memref<1x8x128xi32, #tpu.memory_space<hbm>> -> memref<8x128xi32, #tpu.memory_space<hbm>>
    %dma_wait3A_14 = tpu.memref_slice %arg7[%dma_wait3A] : memref<8x!tpu.dma_semaphore, #tpu.memory_space<semaphore_mem>> -> memref<1x!tpu.dma_semaphore, #tpu.memory_space<semaphore_mem>>
    %dma_wait3A_15 = tpu.memref_squeeze %dma_wait3A_14 : memref<1x!tpu.dma_semaphore, #tpu.memory_space<semaphore_mem>> -> memref<!tpu.dma_semaphore, #tpu.memory_space<semaphore_mem>>
    %dma_wait3A_16 = arith.constant 0 : i32
    %dma_wait3A_17 = arith.constant 0 : i32
    %dma_wait3A_18 = tpu.memref_slice %arg2[%arg1, %dma_wait3A_16, %dma_wait3A_17] : memref<16x8x128xi32, #tpu.memory_space<hbm>> -> memref<1x8x128xi32, #tpu.memory_space<hbm>>
    %dma_wait3A_19 = tpu.memref_squeeze %dma_wait3A_18 : memref<1x8x128xi32, #tpu.memory_space<hbm>> -> memref<8x128xi32, #tpu.memory_space<hbm>>
    tpu.wait_dma2 semaphore(%dma_wait3A_15 : memref<!tpu.dma_semaphore, #tpu.memory_space<semaphore_mem>>) src(%dma_wait3A_19 : memref<8x128xi32, #tpu.memory_space<hbm>>) dst(%arg5 : memref<8x128xi32, #tpu.memory_space<vmem>>)
    %dma_start3A_20 = arith.constant 0 : i32
    %dma_start3A_21 = arith.constant 0 : i32
    %dma_start3A_22 = arith.constant 0 : i32
    %dma_start3A_23 = arith.constant 0 : i32
    %dma_start3A_24 = tpu.memref_slice %arg6[%dma_start3A_21, %dma_start3A_23] : memref<8x128xf32, #tpu.memory_space<vmem>> -> memref<1x128xf32, #tpu.memory_space<vmem>>
    %dma_start3A_25 = tpu.memref_squeeze %dma_start3A_24 : memref<1x128xf32, #tpu.memory_space<vmem>> -> memref<128xf32, #tpu.memory_space<vmem>>
    %dma_start3A_26 = arith.constant 0 : i32
    %dma_start3A_27 = tpu.memref_slice %arg5[%dma_start3A_20, %dma_start3A_26] : memref<8x128xi32, #tpu.memory_space<vmem>> -> memref<1x128xi32, #tpu.memory_space<vmem>>
    %dma_start3A_28 = tpu.memref_squeeze %dma_start3A_27 : memref<1x128xi32, #tpu.memory_space<vmem>> -> memref<128xi32, #tpu.memory_space<vmem>>
    %dma_start3A_29 = arith.constant 0 : i32
    %dma_start3A_30 = tpu.memref_slice %arg3[%dma_start3A_29] : memref<1000000xf32, #tpu.memory_space<hbm>> -> memref<1000000xf32, #tpu.memory_space<hbm>>
    %dma_start3A_31 = tpu.memref_slice %arg7[%dma_start3A_22] : memref<8x!tpu.dma_semaphore, #tpu.memory_space<semaphore_mem>> -> memref<1x!tpu.dma_semaphore, #tpu.memory_space<semaphore_mem>>
    %dma_start3A_32 = tpu.memref_squeeze %dma_start3A_31 : memref<1x!tpu.dma_semaphore, #tpu.memory_space<semaphore_mem>> -> memref<!tpu.dma_semaphore, #tpu.memory_space<semaphore_mem>>
    tpu.enqueue_indirect_dma source(%dma_start3A_30 : memref<1000000xf32, #tpu.memory_space<hbm>>) target(%dma_start3A_25 : memref<128xf32, #tpu.memory_space<vmem>>) offsets(%dma_start3A_28 : memref<128xi32, #tpu.memory_space<vmem>>) semaphore(%dma_start3A_32 : memref<!tpu.dma_semaphore, #tpu.memory_space<semaphore_mem>>)
    %dma_start3A_33 = arith.constant 1 : i32
    %dma_start3A_34 = arith.constant 1 : i32
    %dma_start3A_35 = arith.constant 1 : i32
    %dma_start3A_36 = arith.constant 0 : i32
    %dma_start3A_37 = tpu.memref_slice %arg6[%dma_start3A_34, %dma_start3A_36] : memref<8x128xf32, #tpu.memory_space<vmem>> -> memref<1x128xf32, #tpu.memory_space<vmem>>
    %dma_start3A_38 = tpu.memref_squeeze %dma_start3A_37 : memref<1x128xf32, #tpu.memory_space<vmem>> -> memref<128xf32, #tpu.memory_space<vmem>>
    %dma_start3A_39 = arith.constant 0 : i32
    %dma_start3A_40 = tpu.memref_slice %arg5[%dma_start3A_33, %dma_start3A_39] : memref<8x128xi32, #tpu.memory_space<vmem>> -> memref<1x128xi32, #tpu.memory_space<vmem>>
    %dma_start3A_41 = tpu.memref_squeeze %dma_start3A_40 : memref<1x128xi32, #tpu.memory_space<vmem>> -> memref<128xi32, #tpu.memory_space<vmem>>
    %dma_start3A_42 = arith.constant 0 : i32
    %dma_start3A_43 = tpu.memref_slice %arg3[%dma_start3A_42] : memref<1000000xf32, #tpu.memory_space<hbm>> -> memref<1000000xf32, #tpu.memory_space<hbm>>
    %dma_start3A_44 = tpu.memref_slice %arg7[%dma_start3A_35] : memref<8x!tpu.dma_semaphore, #tpu.memory_space<semaphore_mem>> -> memref<1x!tpu.dma_semaphore, #tpu.memory_space<semaphore_mem>>
    %dma_start3A_45 = tpu.memref_squeeze %dma_start3A_44 : memref<1x!tpu.dma_semaphore, #tpu.memory_space<semaphore_mem>> -> memref<!tpu.dma_semaphore, #tpu.memory_space<semaphore_mem>>
    tpu.enqueue_indirect_dma source(%dma_start3A_43 : memref<1000000xf32, #tpu.memory_space<hbm>>) target(%dma_start3A_38 : memref<128xf32, #tpu.memory_space<vmem>>) offsets(%dma_start3A_41 : memref<128xi32, #tpu.memory_space<vmem>>) semaphore(%dma_start3A_45 : memref<!tpu.dma_semaphore, #tpu.memory_space<semaphore_mem>>)
    %dma_start3A_46 = arith.constant 2 : i32
    %dma_start3A_47 = arith.constant 2 : i32
    %dma_start3A_48 = arith.constant 2 : i32
    %dma_start3A_49 = arith.constant 0 : i32
    %dma_start3A_50 = tpu.memref_slice %arg6[%dma_start3A_47, %dma_start3A_49] : memref<8x128xf32, #tpu.memory_space<vmem>> -> memref<1x128xf32, #tpu.memory_space<vmem>>
    %dma_start3A_51 = tpu.memref_squeeze %dma_start3A_50 : memref<1x128xf32, #tpu.memory_space<vmem>> -> memref<128xf32, #tpu.memory_space<vmem>>
    %dma_start3A_52 = arith.constant 0 : i32
    %dma_start3A_53 = tpu.memref_slice %arg5[%dma_start3A_46, %dma_start3A_52] : memref<8x128xi32, #tpu.memory_space<vmem>> -> memref<1x128xi32, #tpu.memory_space<vmem>>
    %dma_start3A_54 = tpu.memref_squeeze %dma_start3A_53 : memref<1x128xi32, #tpu.memory_space<vmem>> -> memref<128xi32, #tpu.memory_space<vmem>>
    %dma_start3A_55 = arith.constant 0 : i32
    %dma_start3A_56 = tpu.memref_slice %arg3[%dma_start3A_55] : memref<1000000xf32, #tpu.memory_space<hbm>> -> memref<1000000xf32, #tpu.memory_space<hbm>>
    %dma_start3A_57 = tpu.memref_slice %arg7[%dma_start3A_48] : memref<8x!tpu.dma_semaphore, #tpu.memory_space<semaphore_mem>> -> memref<1x!tpu.dma_semaphore, #tpu.memory_space<semaphore_mem>>
    %dma_start3A_58 = tpu.memref_squeeze %dma_start3A_57 : memref<1x!tpu.dma_semaphore, #tpu.memory_space<semaphore_mem>> -> memref<!tpu.dma_semaphore, #tpu.memory_space<semaphore_mem>>
    tpu.enqueue_indirect_dma source(%dma_start3A_56 : memref<1000000xf32, #tpu.memory_space<hbm>>) target(%dma_start3A_51 : memref<128xf32, #tpu.memory_space<vmem>>) offsets(%dma_start3A_54 : memref<128xi32, #tpu.memory_space<vmem>>) semaphore(%dma_start3A_58 : memref<!tpu.dma_semaphore, #tpu.memory_space<semaphore_mem>>)
    %dma_start3A_59 = arith.constant 3 : i32
    %dma_start3A_60 = arith.constant 3 : i32
    %dma_start3A_61 = arith.constant 3 : i32
    %dma_start3A_62 = arith.constant 0 : i32
    %dma_start3A_63 = tpu.memref_slice %arg6[%dma_start3A_60, %dma_start3A_62] : memref<8x128xf32, #tpu.memory_space<vmem>> -> memref<1x128xf32, #tpu.memory_space<vmem>>
    %dma_start3A_64 = tpu.memref_squeeze %dma_start3A_63 : memref<1x128xf32, #tpu.memory_space<vmem>> -> memref<128xf32, #tpu.memory_space<vmem>>
    %dma_start3A_65 = arith.constant 0 : i32
    %dma_start3A_66 = tpu.memref_slice %arg5[%dma_start3A_59, %dma_start3A_65] : memref<8x128xi32, #tpu.memory_space<vmem>> -> memref<1x128xi32, #tpu.memory_space<vmem>>
    %dma_start3A_67 = tpu.memref_squeeze %dma_start3A_66 : memref<1x128xi32, #tpu.memory_space<vmem>> -> memref<128xi32, #tpu.memory_space<vmem>>
    %dma_start3A_68 = arith.constant 0 : i32
    %dma_start3A_69 = tpu.memref_slice %arg3[%dma_start3A_68] : memref<1000000xf32, #tpu.memory_space<hbm>> -> memref<1000000xf32, #tpu.memory_space<hbm>>
    %dma_start3A_70 = tpu.memref_slice %arg7[%dma_start3A_61] : memref<8x!tpu.dma_semaphore, #tpu.memory_space<semaphore_mem>> -> memref<1x!tpu.dma_semaphore, #tpu.memory_space<semaphore_mem>>
    %dma_start3A_71 = tpu.memref_squeeze %dma_start3A_70 : memref<1x!tpu.dma_semaphore, #tpu.memory_space<semaphore_mem>> -> memref<!tpu.dma_semaphore, #tpu.memory_space<semaphore_mem>>
    tpu.enqueue_indirect_dma source(%dma_start3A_69 : memref<1000000xf32, #tpu.memory_space<hbm>>) target(%dma_start3A_64 : memref<128xf32, #tpu.memory_space<vmem>>) offsets(%dma_start3A_67 : memref<128xi32, #tpu.memory_space<vmem>>) semaphore(%dma_start3A_71 : memref<!tpu.dma_semaphore, #tpu.memory_space<semaphore_mem>>)
    %dma_start3A_72 = arith.constant 4 : i32
    %dma_start3A_73 = arith.constant 4 : i32
    %dma_start3A_74 = arith.constant 4 : i32
    %dma_start3A_75 = arith.constant 0 : i32
    %dma_start3A_76 = tpu.memref_slice %arg6[%dma_start3A_73, %dma_start3A_75] : memref<8x128xf32, #tpu.memory_space<vmem>> -> memref<1x128xf32, #tpu.memory_space<vmem>>
    %dma_start3A_77 = tpu.memref_squeeze %dma_start3A_76 : memref<1x128xf32, #tpu.memory_space<vmem>> -> memref<128xf32, #tpu.memory_space<vmem>>
    %dma_start3A_78 = arith.constant 0 : i32
    %dma_start3A_79 = tpu.memref_slice %arg5[%dma_start3A_72, %dma_start3A_78] : memref<8x128xi32, #tpu.memory_space<vmem>> -> memref<1x128xi32, #tpu.memory_space<vmem>>
    %dma_start3A_80 = tpu.memref_squeeze %dma_start3A_79 : memref<1x128xi32, #tpu.memory_space<vmem>> -> memref<128xi32, #tpu.memory_space<vmem>>
    %dma_start3A_81 = arith.constant 0 : i32
    %dma_start3A_82 = tpu.memref_slice %arg3[%dma_start3A_81] : memref<1000000xf32, #tpu.memory_space<hbm>> -> memref<1000000xf32, #tpu.memory_space<hbm>>
    %dma_start3A_83 = tpu.memref_slice %arg7[%dma_start3A_74] : memref<8x!tpu.dma_semaphore, #tpu.memory_space<semaphore_mem>> -> memref<1x!tpu.dma_semaphore, #tpu.memory_space<semaphore_mem>>
    %dma_start3A_84 = tpu.memref_squeeze %dma_start3A_83 : memref<1x!tpu.dma_semaphore, #tpu.memory_space<semaphore_mem>> -> memref<!tpu.dma_semaphore, #tpu.memory_space<semaphore_mem>>
    tpu.enqueue_indirect_dma source(%dma_start3A_82 : memref<1000000xf32, #tpu.memory_space<hbm>>) target(%dma_start3A_77 : memref<128xf32, #tpu.memory_space<vmem>>) offsets(%dma_start3A_80 : memref<128xi32, #tpu.memory_space<vmem>>) semaphore(%dma_start3A_84 : memref<!tpu.dma_semaphore, #tpu.memory_space<semaphore_mem>>)
    %dma_start3A_85 = arith.constant 5 : i32
    %dma_start3A_86 = arith.constant 5 : i32
    %dma_start3A_87 = arith.constant 5 : i32
    %dma_start3A_88 = arith.constant 0 : i32
    %dma_start3A_89 = tpu.memref_slice %arg6[%dma_start3A_86, %dma_start3A_88] : memref<8x128xf32, #tpu.memory_space<vmem>> -> memref<1x128xf32, #tpu.memory_space<vmem>>
    %dma_start3A_90 = tpu.memref_squeeze %dma_start3A_89 : memref<1x128xf32, #tpu.memory_space<vmem>> -> memref<128xf32, #tpu.memory_space<vmem>>
    %dma_start3A_91 = arith.constant 0 : i32
    %dma_start3A_92 = tpu.memref_slice %arg5[%dma_start3A_85, %dma_start3A_91] : memref<8x128xi32, #tpu.memory_space<vmem>> -> memref<1x128xi32, #tpu.memory_space<vmem>>
    %dma_start3A_93 = tpu.memref_squeeze %dma_start3A_92 : memref<1x128xi32, #tpu.memory_space<vmem>> -> memref<128xi32, #tpu.memory_space<vmem>>
    %dma_start3A_94 = arith.constant 0 : i32
    %dma_start3A_95 = tpu.memref_slice %arg3[%dma_start3A_94] : memref<1000000xf32, #tpu.memory_space<hbm>> -> memref<1000000xf32, #tpu.memory_space<hbm>>
    %dma_start3A_96 = tpu.memref_slice %arg7[%dma_start3A_87] : memref<8x!tpu.dma_semaphore, #tpu.memory_space<semaphore_mem>> -> memref<1x!tpu.dma_semaphore, #tpu.memory_space<semaphore_mem>>
    %dma_start3A_97 = tpu.memref_squeeze %dma_start3A_96 : memref<1x!tpu.dma_semaphore, #tpu.memory_space<semaphore_mem>> -> memref<!tpu.dma_semaphore, #tpu.memory_space<semaphore_mem>>
    tpu.enqueue_indirect_dma source(%dma_start3A_95 : memref<1000000xf32, #tpu.memory_space<hbm>>) target(%dma_start3A_90 : memref<128xf32, #tpu.memory_space<vmem>>) offsets(%dma_start3A_93 : memref<128xi32, #tpu.memory_space<vmem>>) semaphore(%dma_start3A_97 : memref<!tpu.dma_semaphore, #tpu.memory_space<semaphore_mem>>)
    %dma_start3A_98 = arith.constant 6 : i32
    %dma_start3A_99 = arith.constant 6 : i32
    %dma_start3A_100 = arith.constant 6 : i32
    %dma_start3A_101 = arith.constant 0 : i32
    %dma_start3A_102 = tpu.memref_slice %arg6[%dma_start3A_99, %dma_start3A_101] : memref<8x128xf32, #tpu.memory_space<vmem>> -> memref<1x128xf32, #tpu.memory_space<vmem>>
    %dma_start3A_103 = tpu.memref_squeeze %dma_start3A_102 : memref<1x128xf32, #tpu.memory_space<vmem>> -> memref<128xf32, #tpu.memory_space<vmem>>
    %dma_start3A_104 = arith.constant 0 : i32
    %dma_start3A_105 = tpu.memref_slice %arg5[%dma_start3A_98, %dma_start3A_104] : memref<8x128xi32, #tpu.memory_space<vmem>> -> memref<1x128xi32, #tpu.memory_space<vmem>>
    %dma_start3A_106 = tpu.memref_squeeze %dma_start3A_105 : memref<1x128xi32, #tpu.memory_space<vmem>> -> memref<128xi32, #tpu.memory_space<vmem>>
    %dma_start3A_107 = arith.constant 0 : i32
    %dma_start3A_108 = tpu.memref_slice %arg3[%dma_start3A_107] : memref<1000000xf32, #tpu.memory_space<hbm>> -> memref<1000000xf32, #tpu.memory_space<hbm>>
    %dma_start3A_109 = tpu.memref_slice %arg7[%dma_start3A_100] : memref<8x!tpu.dma_semaphore, #tpu.memory_space<semaphore_mem>> -> memref<1x!tpu.dma_semaphore, #tpu.memory_space<semaphore_mem>>
    %dma_start3A_110 = tpu.memref_squeeze %dma_start3A_109 : memref<1x!tpu.dma_semaphore, #tpu.memory_space<semaphore_mem>> -> memref<!tpu.dma_semaphore, #tpu.memory_space<semaphore_mem>>
    tpu.enqueue_indirect_dma source(%dma_start3A_108 : memref<1000000xf32, #tpu.memory_space<hbm>>) target(%dma_start3A_103 : memref<128xf32, #tpu.memory_space<vmem>>) offsets(%dma_start3A_106 : memref<128xi32, #tpu.memory_space<vmem>>) semaphore(%dma_start3A_110 : memref<!tpu.dma_semaphore, #tpu.memory_space<semaphore_mem>>)
    %dma_start3A_111 = arith.constant 7 : i32
    %dma_start3A_112 = arith.constant 7 : i32
    %dma_start3A_113 = arith.constant 7 : i32
    %dma_start3A_114 = arith.constant 0 : i32
    %dma_start3A_115 = tpu.memref_slice %arg6[%dma_start3A_112, %dma_start3A_114] : memref<8x128xf32, #tpu.memory_space<vmem>> -> memref<1x128xf32, #tpu.memory_space<vmem>>
    %dma_start3A_116 = tpu.memref_squeeze %dma_start3A_115 : memref<1x128xf32, #tpu.memory_space<vmem>> -> memref<128xf32, #tpu.memory_space<vmem>>
    %dma_start3A_117 = arith.constant 0 : i32
    %dma_start3A_118 = tpu.memref_slice %arg5[%dma_start3A_111, %dma_start3A_117] : memref<8x128xi32, #tpu.memory_space<vmem>> -> memref<1x128xi32, #tpu.memory_space<vmem>>
    %dma_start3A_119 = tpu.memref_squeeze %dma_start3A_118 : memref<1x128xi32, #tpu.memory_space<vmem>> -> memref<128xi32, #tpu.memory_space<vmem>>
    %dma_start3A_120 = arith.constant 0 : i32
    %dma_start3A_121 = tpu.memref_slice %arg3[%dma_start3A_120] : memref<1000000xf32, #tpu.memory_space<hbm>> -> memref<1000000xf32, #tpu.memory_space<hbm>>
    %dma_start3A_122 = tpu.memref_slice %arg7[%dma_start3A_113] : memref<8x!tpu.dma_semaphore, #tpu.memory_space<semaphore_mem>> -> memref<1x!tpu.dma_semaphore, #tpu.memory_space<semaphore_mem>>
    %dma_start3A_123 = tpu.memref_squeeze %dma_start3A_122 : memref<1x!tpu.dma_semaphore, #tpu.memory_space<semaphore_mem>> -> memref<!tpu.dma_semaphore, #tpu.memory_space<semaphore_mem>>
    tpu.enqueue_indirect_dma source(%dma_start3A_121 : memref<1000000xf32, #tpu.memory_space<hbm>>) target(%dma_start3A_116 : memref<128xf32, #tpu.memory_space<vmem>>) offsets(%dma_start3A_119 : memref<128xi32, #tpu.memory_space<vmem>>) semaphore(%dma_start3A_123 : memref<!tpu.dma_semaphore, #tpu.memory_space<semaphore_mem>>)
    %dma_wait3A_124 = arith.constant 0 : i32
    %dma_wait3A_125 = arith.constant 0 : i32
    %dma_wait3A_126 = arith.constant 0 : i32
    %dma_wait3A_127 = arith.constant 0 : i32
    %dma_wait3A_128 = tpu.memref_slice %arg6[%dma_wait3A_125, %dma_wait3A_127] : memref<8x128xf32, #tpu.memory_space<vmem>> -> memref<1x128xf32, #tpu.memory_space<vmem>>
    %dma_wait3A_129 = tpu.memref_squeeze %dma_wait3A_128 : memref<1x128xf32, #tpu.memory_space<vmem>> -> memref<128xf32, #tpu.memory_space<vmem>>
    %dma_wait3A_130 = arith.constant 0 : i32
    %dma_wait3A_131 = tpu.memref_slice %arg5[%dma_wait3A_124, %dma_wait3A_130] : memref<8x128xi32, #tpu.memory_space<vmem>> -> memref<1x128xi32, #tpu.memory_space<vmem>>
    %dma_wait3A_132 = tpu.memref_squeeze %dma_wait3A_131 : memref<1x128xi32, #tpu.memory_space<vmem>> -> memref<128xi32, #tpu.memory_space<vmem>>
    %dma_wait3A_133 = arith.constant 0 : i32
    %dma_wait3A_134 = tpu.memref_slice %arg3[%dma_wait3A_133] : memref<1000000xf32, #tpu.memory_space<hbm>> -> memref<1000000xf32, #tpu.memory_space<hbm>>
    %dma_wait3A_135 = tpu.memref_slice %arg7[%dma_wait3A_126] : memref<8x!tpu.dma_semaphore, #tpu.memory_space<semaphore_mem>> -> memref<1x!tpu.dma_semaphore, #tpu.memory_space<semaphore_mem>>
    %dma_wait3A_136 = tpu.memref_squeeze %dma_wait3A_135 : memref<1x!tpu.dma_semaphore, #tpu.memory_space<semaphore_mem>> -> memref<!tpu.dma_semaphore, #tpu.memory_space<semaphore_mem>>
    tpu.wait_indirect_dma semaphore(%dma_wait3A_136 : memref<!tpu.dma_semaphore, #tpu.memory_space<semaphore_mem>>) src(%dma_wait3A_134 : memref<1000000xf32, #tpu.memory_space<hbm>>) dst(%dma_wait3A_129 : memref<128xf32, #tpu.memory_space<vmem>>)
    %dma_wait3A_137 = arith.constant 1 : i32
    %dma_wait3A_138 = arith.constant 1 : i32
    %dma_wait3A_139 = arith.constant 1 : i32
    %dma_wait3A_140 = arith.constant 0 : i32
    %dma_wait3A_141 = tpu.memref_slice %arg6[%dma_wait3A_138, %dma_wait3A_140] : memref<8x128xf32, #tpu.memory_space<vmem>> -> memref<1x128xf32, #tpu.memory_space<vmem>>
    %dma_wait3A_142 = tpu.memref_squeeze %dma_wait3A_141 : memref<1x128xf32, #tpu.memory_space<vmem>> -> memref<128xf32, #tpu.memory_space<vmem>>
    %dma_wait3A_143 = arith.constant 0 : i32
    %dma_wait3A_144 = tpu.memref_slice %arg5[%dma_wait3A_137, %dma_wait3A_143] : memref<8x128xi32, #tpu.memory_space<vmem>> -> memref<1x128xi32, #tpu.memory_space<vmem>>
    %dma_wait3A_145 = tpu.memref_squeeze %dma_wait3A_144 : memref<1x128xi32, #tpu.memory_space<vmem>> -> memref<128xi32, #tpu.memory_space<vmem>>
    %dma_wait3A_146 = arith.constant 0 : i32
    %dma_wait3A_147 = tpu.memref_slice %arg3[%dma_wait3A_146] : memref<1000000xf32, #tpu.memory_space<hbm>> -> memref<1000000xf32, #tpu.memory_space<hbm>>
    %dma_wait3A_148 = tpu.memref_slice %arg7[%dma_wait3A_139] : memref<8x!tpu.dma_semaphore, #tpu.memory_space<semaphore_mem>> -> memref<1x!tpu.dma_semaphore, #tpu.memory_space<semaphore_mem>>
    %dma_wait3A_149 = tpu.memref_squeeze %dma_wait3A_148 : memref<1x!tpu.dma_semaphore, #tpu.memory_space<semaphore_mem>> -> memref<!tpu.dma_semaphore, #tpu.memory_space<semaphore_mem>>
    tpu.wait_indirect_dma semaphore(%dma_wait3A_149 : memref<!tpu.dma_semaphore, #tpu.memory_space<semaphore_mem>>) src(%dma_wait3A_147 : memref<1000000xf32, #tpu.memory_space<hbm>>) dst(%dma_wait3A_142 : memref<128xf32, #tpu.memory_space<vmem>>)
    %dma_wait3A_150 = arith.constant 2 : i32
    %dma_wait3A_151 = arith.constant 2 : i32
    %dma_wait3A_152 = arith.constant 2 : i32
    %dma_wait3A_153 = arith.constant 0 : i32
    %dma_wait3A_154 = tpu.memref_slice %arg6[%dma_wait3A_151, %dma_wait3A_153] : memref<8x128xf32, #tpu.memory_space<vmem>> -> memref<1x128xf32, #tpu.memory_space<vmem>>
    %dma_wait3A_155 = tpu.memref_squeeze %dma_wait3A_154 : memref<1x128xf32, #tpu.memory_space<vmem>> -> memref<128xf32, #tpu.memory_space<vmem>>
    %dma_wait3A_156 = arith.constant 0 : i32
    %dma_wait3A_157 = tpu.memref_slice %arg5[%dma_wait3A_150, %dma_wait3A_156] : memref<8x128xi32, #tpu.memory_space<vmem>> -> memref<1x128xi32, #tpu.memory_space<vmem>>
    %dma_wait3A_158 = tpu.memref_squeeze %dma_wait3A_157 : memref<1x128xi32, #tpu.memory_space<vmem>> -> memref<128xi32, #tpu.memory_space<vmem>>
    %dma_wait3A_159 = arith.constant 0 : i32
    %dma_wait3A_160 = tpu.memref_slice %arg3[%dma_wait3A_159] : memref<1000000xf32, #tpu.memory_space<hbm>> -> memref<1000000xf32, #tpu.memory_space<hbm>>
    %dma_wait3A_161 = tpu.memref_slice %arg7[%dma_wait3A_152] : memref<8x!tpu.dma_semaphore, #tpu.memory_space<semaphore_mem>> -> memref<1x!tpu.dma_semaphore, #tpu.memory_space<semaphore_mem>>
    %dma_wait3A_162 = tpu.memref_squeeze %dma_wait3A_161 : memref<1x!tpu.dma_semaphore, #tpu.memory_space<semaphore_mem>> -> memref<!tpu.dma_semaphore, #tpu.memory_space<semaphore_mem>>
    tpu.wait_indirect_dma semaphore(%dma_wait3A_162 : memref<!tpu.dma_semaphore, #tpu.memory_space<semaphore_mem>>) src(%dma_wait3A_160 : memref<1000000xf32, #tpu.memory_space<hbm>>) dst(%dma_wait3A_155 : memref<128xf32, #tpu.memory_space<vmem>>)
    %dma_wait3A_163 = arith.constant 3 : i32
    %dma_wait3A_164 = arith.constant 3 : i32
    %dma_wait3A_165 = arith.constant 3 : i32
    %dma_wait3A_166 = arith.constant 0 : i32
    %dma_wait3A_167 = tpu.memref_slice %arg6[%dma_wait3A_164, %dma_wait3A_166] : memref<8x128xf32, #tpu.memory_space<vmem>> -> memref<1x128xf32, #tpu.memory_space<vmem>>
    %dma_wait3A_168 = tpu.memref_squeeze %dma_wait3A_167 : memref<1x128xf32, #tpu.memory_space<vmem>> -> memref<128xf32, #tpu.memory_space<vmem>>
    %dma_wait3A_169 = arith.constant 0 : i32
    %dma_wait3A_170 = tpu.memref_slice %arg5[%dma_wait3A_163, %dma_wait3A_169] : memref<8x128xi32, #tpu.memory_space<vmem>> -> memref<1x128xi32, #tpu.memory_space<vmem>>
    %dma_wait3A_171 = tpu.memref_squeeze %dma_wait3A_170 : memref<1x128xi32, #tpu.memory_space<vmem>> -> memref<128xi32, #tpu.memory_space<vmem>>
    %dma_wait3A_172 = arith.constant 0 : i32
    %dma_wait3A_173 = tpu.memref_slice %arg3[%dma_wait3A_172] : memref<1000000xf32, #tpu.memory_space<hbm>> -> memref<1000000xf32, #tpu.memory_space<hbm>>
    %dma_wait3A_174 = tpu.memref_slice %arg7[%dma_wait3A_165] : memref<8x!tpu.dma_semaphore, #tpu.memory_space<semaphore_mem>> -> memref<1x!tpu.dma_semaphore, #tpu.memory_space<semaphore_mem>>
    %dma_wait3A_175 = tpu.memref_squeeze %dma_wait3A_174 : memref<1x!tpu.dma_semaphore, #tpu.memory_space<semaphore_mem>> -> memref<!tpu.dma_semaphore, #tpu.memory_space<semaphore_mem>>
    tpu.wait_indirect_dma semaphore(%dma_wait3A_175 : memref<!tpu.dma_semaphore, #tpu.memory_space<semaphore_mem>>) src(%dma_wait3A_173 : memref<1000000xf32, #tpu.memory_space<hbm>>) dst(%dma_wait3A_168 : memref<128xf32, #tpu.memory_space<vmem>>)
    %dma_start3A_176 = arith.constant 0 : i32
    %dma_start3A_177 = arith.constant 0 : i32
    %dma_start3A_178 = arith.constant 0 : i32
    %dma_start3A_179 = tpu.memref_slice %arg6[%dma_start3A_177, %dma_start3A_178] : memref<8x128xf32, #tpu.memory_space<vmem>> -> memref<4x128xf32, #tpu.memory_space<vmem>>
    %dma_start3A_180 = arith.constant 0 : i32
    %dma_start3A_181 = arith.constant 0 : i32
    %dma_start3A_182 = tpu.memref_slice %arg4[%arg1, %dma_start3A_180, %dma_start3A_181] : memref<16x8x128xf32, #tpu.memory_space<hbm>> -> memref<1x4x128xf32, #tpu.memory_space<hbm>>
    %dma_start3A_183 = tpu.memref_squeeze %dma_start3A_182 : memref<1x4x128xf32, #tpu.memory_space<hbm>> -> memref<4x128xf32, #tpu.memory_space<hbm>>
    %dma_start3A_184 = tpu.memref_slice %arg7[%dma_start3A_176] : memref<8x!tpu.dma_semaphore, #tpu.memory_space<semaphore_mem>> -> memref<1x!tpu.dma_semaphore, #tpu.memory_space<semaphore_mem>>
    %dma_start3A_185 = tpu.memref_squeeze %dma_start3A_184 : memref<1x!tpu.dma_semaphore, #tpu.memory_space<semaphore_mem>> -> memref<!tpu.dma_semaphore, #tpu.memory_space<semaphore_mem>>
    %dma_start3A_186 = arith.constant 0 : i32
    %dma_start3A_187 = arith.constant 0 : i32
    %dma_start3A_188 = tpu.memref_slice %arg4[%arg1, %dma_start3A_186, %dma_start3A_187] : memref<16x8x128xf32, #tpu.memory_space<hbm>> -> memref<1x4x128xf32, #tpu.memory_space<hbm>>
    %dma_start3A_189 = tpu.memref_squeeze %dma_start3A_188 : memref<1x4x128xf32, #tpu.memory_space<hbm>> -> memref<4x128xf32, #tpu.memory_space<hbm>>
    %dma_start3A_190 = arith.constant 0 : i32
    %dma_start3A_191 = arith.constant 0 : i32
    %dma_start3A_192 = tpu.memref_slice %arg6[%dma_start3A_190, %dma_start3A_191] : memref<8x128xf32, #tpu.memory_space<vmem>> -> memref<4x128xf32, #tpu.memory_space<vmem>>
    tpu.enqueue_dma source(%dma_start3A_192 : memref<4x128xf32, #tpu.memory_space<vmem>>) target(%dma_start3A_189 : memref<4x128xf32, #tpu.memory_space<hbm>>) target_semaphore(%dma_start3A_185 : memref<!tpu.dma_semaphore, #tpu.memory_space<semaphore_mem>>)
    %dma_wait3A_193 = arith.constant 4 : i32
    %dma_wait3A_194 = arith.constant 4 : i32
    %dma_wait3A_195 = arith.constant 4 : i32
    %dma_wait3A_196 = arith.constant 0 : i32
    %dma_wait3A_197 = tpu.memref_slice %arg6[%dma_wait3A_194, %dma_wait3A_196] : memref<8x128xf32, #tpu.memory_space<vmem>> -> memref<1x128xf32, #tpu.memory_space<vmem>>
    %dma_wait3A_198 = tpu.memref_squeeze %dma_wait3A_197 : memref<1x128xf32, #tpu.memory_space<vmem>> -> memref<128xf32, #tpu.memory_space<vmem>>
    %dma_wait3A_199 = arith.constant 0 : i32
    %dma_wait3A_200 = tpu.memref_slice %arg5[%dma_wait3A_193, %dma_wait3A_199] : memref<8x128xi32, #tpu.memory_space<vmem>> -> memref<1x128xi32, #tpu.memory_space<vmem>>
    %dma_wait3A_201 = tpu.memref_squeeze %dma_wait3A_200 : memref<1x128xi32, #tpu.memory_space<vmem>> -> memref<128xi32, #tpu.memory_space<vmem>>
    %dma_wait3A_202 = arith.constant 0 : i32
    %dma_wait3A_203 = tpu.memref_slice %arg3[%dma_wait3A_202] : memref<1000000xf32, #tpu.memory_space<hbm>> -> memref<1000000xf32, #tpu.memory_space<hbm>>
    %dma_wait3A_204 = tpu.memref_slice %arg7[%dma_wait3A_195] : memref<8x!tpu.dma_semaphore, #tpu.memory_space<semaphore_mem>> -> memref<1x!tpu.dma_semaphore, #tpu.memory_space<semaphore_mem>>
    %dma_wait3A_205 = tpu.memref_squeeze %dma_wait3A_204 : memref<1x!tpu.dma_semaphore, #tpu.memory_space<semaphore_mem>> -> memref<!tpu.dma_semaphore, #tpu.memory_space<semaphore_mem>>
    tpu.wait_indirect_dma semaphore(%dma_wait3A_205 : memref<!tpu.dma_semaphore, #tpu.memory_space<semaphore_mem>>) src(%dma_wait3A_203 : memref<1000000xf32, #tpu.memory_space<hbm>>) dst(%dma_wait3A_198 : memref<128xf32, #tpu.memory_space<vmem>>)
    %dma_wait3A_206 = arith.constant 5 : i32
    %dma_wait3A_207 = arith.constant 5 : i32
    %dma_wait3A_208 = arith.constant 5 : i32
    %dma_wait3A_209 = arith.constant 0 : i32
    %dma_wait3A_210 = tpu.memref_slice %arg6[%dma_wait3A_207, %dma_wait3A_209] : memref<8x128xf32, #tpu.memory_space<vmem>> -> memref<1x128xf32, #tpu.memory_space<vmem>>
    %dma_wait3A_211 = tpu.memref_squeeze %dma_wait3A_210 : memref<1x128xf32, #tpu.memory_space<vmem>> -> memref<128xf32, #tpu.memory_space<vmem>>
    %dma_wait3A_212 = arith.constant 0 : i32
    %dma_wait3A_213 = tpu.memref_slice %arg5[%dma_wait3A_206, %dma_wait3A_212] : memref<8x128xi32, #tpu.memory_space<vmem>> -> memref<1x128xi32, #tpu.memory_space<vmem>>
    %dma_wait3A_214 = tpu.memref_squeeze %dma_wait3A_213 : memref<1x128xi32, #tpu.memory_space<vmem>> -> memref<128xi32, #tpu.memory_space<vmem>>
    %dma_wait3A_215 = arith.constant 0 : i32
    %dma_wait3A_216 = tpu.memref_slice %arg3[%dma_wait3A_215] : memref<1000000xf32, #tpu.memory_space<hbm>> -> memref<1000000xf32, #tpu.memory_space<hbm>>
    %dma_wait3A_217 = tpu.memref_slice %arg7[%dma_wait3A_208] : memref<8x!tpu.dma_semaphore, #tpu.memory_space<semaphore_mem>> -> memref<1x!tpu.dma_semaphore, #tpu.memory_space<semaphore_mem>>
    %dma_wait3A_218 = tpu.memref_squeeze %dma_wait3A_217 : memref<1x!tpu.dma_semaphore, #tpu.memory_space<semaphore_mem>> -> memref<!tpu.dma_semaphore, #tpu.memory_space<semaphore_mem>>
    tpu.wait_indirect_dma semaphore(%dma_wait3A_218 : memref<!tpu.dma_semaphore, #tpu.memory_space<semaphore_mem>>) src(%dma_wait3A_216 : memref<1000000xf32, #tpu.memory_space<hbm>>) dst(%dma_wait3A_211 : memref<128xf32, #tpu.memory_space<vmem>>)
    %dma_wait3A_219 = arith.constant 6 : i32
    %dma_wait3A_220 = arith.constant 6 : i32
    %dma_wait3A_221 = arith.constant 6 : i32
    %dma_wait3A_222 = arith.constant 0 : i32
    %dma_wait3A_223 = tpu.memref_slice %arg6[%dma_wait3A_220, %dma_wait3A_222] : memref<8x128xf32, #tpu.memory_space<vmem>> -> memref<1x128xf32, #tpu.memory_space<vmem>>
    %dma_wait3A_224 = tpu.memref_squeeze %dma_wait3A_223 : memref<1x128xf32, #tpu.memory_space<vmem>> -> memref<128xf32, #tpu.memory_space<vmem>>
    %dma_wait3A_225 = arith.constant 0 : i32
    %dma_wait3A_226 = tpu.memref_slice %arg5[%dma_wait3A_219, %dma_wait3A_225] : memref<8x128xi32, #tpu.memory_space<vmem>> -> memref<1x128xi32, #tpu.memory_space<vmem>>
    %dma_wait3A_227 = tpu.memref_squeeze %dma_wait3A_226 : memref<1x128xi32, #tpu.memory_space<vmem>> -> memref<128xi32, #tpu.memory_space<vmem>>
    %dma_wait3A_228 = arith.constant 0 : i32
    %dma_wait3A_229 = tpu.memref_slice %arg3[%dma_wait3A_228] : memref<1000000xf32, #tpu.memory_space<hbm>> -> memref<1000000xf32, #tpu.memory_space<hbm>>
    %dma_wait3A_230 = tpu.memref_slice %arg7[%dma_wait3A_221] : memref<8x!tpu.dma_semaphore, #tpu.memory_space<semaphore_mem>> -> memref<1x!tpu.dma_semaphore, #tpu.memory_space<semaphore_mem>>
    %dma_wait3A_231 = tpu.memref_squeeze %dma_wait3A_230 : memref<1x!tpu.dma_semaphore, #tpu.memory_space<semaphore_mem>> -> memref<!tpu.dma_semaphore, #tpu.memory_space<semaphore_mem>>
    tpu.wait_indirect_dma semaphore(%dma_wait3A_231 : memref<!tpu.dma_semaphore, #tpu.memory_space<semaphore_mem>>) src(%dma_wait3A_229 : memref<1000000xf32, #tpu.memory_space<hbm>>) dst(%dma_wait3A_224 : memref<128xf32, #tpu.memory_space<vmem>>)
    %dma_wait3A_232 = arith.constant 7 : i32
    %dma_wait3A_233 = arith.constant 7 : i32
    %dma_wait3A_234 = arith.constant 7 : i32
    %dma_wait3A_235 = arith.constant 0 : i32
    %dma_wait3A_236 = tpu.memref_slice %arg6[%dma_wait3A_233, %dma_wait3A_235] : memref<8x128xf32, #tpu.memory_space<vmem>> -> memref<1x128xf32, #tpu.memory_space<vmem>>
    %dma_wait3A_237 = tpu.memref_squeeze %dma_wait3A_236 : memref<1x128xf32, #tpu.memory_space<vmem>> -> memref<128xf32, #tpu.memory_space<vmem>>
    %dma_wait3A_238 = arith.constant 0 : i32
    %dma_wait3A_239 = tpu.memref_slice %arg5[%dma_wait3A_232, %dma_wait3A_238] : memref<8x128xi32, #tpu.memory_space<vmem>> -> memref<1x128xi32, #tpu.memory_space<vmem>>
    %dma_wait3A_240 = tpu.memref_squeeze %dma_wait3A_239 : memref<1x128xi32, #tpu.memory_space<vmem>> -> memref<128xi32, #tpu.memory_space<vmem>>
    %dma_wait3A_241 = arith.constant 0 : i32
    %dma_wait3A_242 = tpu.memref_slice %arg3[%dma_wait3A_241] : memref<1000000xf32, #tpu.memory_space<hbm>> -> memref<1000000xf32, #tpu.memory_space<hbm>>
    %dma_wait3A_243 = tpu.memref_slice %arg7[%dma_wait3A_234] : memref<8x!tpu.dma_semaphore, #tpu.memory_space<semaphore_mem>> -> memref<1x!tpu.dma_semaphore, #tpu.memory_space<semaphore_mem>>
    %dma_wait3A_244 = tpu.memref_squeeze %dma_wait3A_243 : memref<1x!tpu.dma_semaphore, #tpu.memory_space<semaphore_mem>> -> memref<!tpu.dma_semaphore, #tpu.memory_space<semaphore_mem>>
    tpu.wait_indirect_dma semaphore(%dma_wait3A_244 : memref<!tpu.dma_semaphore, #tpu.memory_space<semaphore_mem>>) src(%dma_wait3A_242 : memref<1000000xf32, #tpu.memory_space<hbm>>) dst(%dma_wait3A_237 : memref<128xf32, #tpu.memory_space<vmem>>)
    %dma_start3A_245 = arith.constant 1 : i32
    %dma_start3A_246 = arith.constant 4 : i32
    %dma_start3A_247 = arith.constant 0 : i32
    %dma_start3A_248 = tpu.memref_slice %arg6[%dma_start3A_246, %dma_start3A_247] : memref<8x128xf32, #tpu.memory_space<vmem>> -> memref<4x128xf32, #tpu.memory_space<vmem>>
    %dma_start3A_249 = arith.constant 4 : i32
    %dma_start3A_250 = arith.constant 0 : i32
    %dma_start3A_251 = tpu.memref_slice %arg4[%arg1, %dma_start3A_249, %dma_start3A_250] : memref<16x8x128xf32, #tpu.memory_space<hbm>> -> memref<1x4x128xf32, #tpu.memory_space<hbm>>
    %dma_start3A_252 = tpu.memref_squeeze %dma_start3A_251 : memref<1x4x128xf32, #tpu.memory_space<hbm>> -> memref<4x128xf32, #tpu.memory_space<hbm>>
    %dma_start3A_253 = tpu.memref_slice %arg7[%dma_start3A_245] : memref<8x!tpu.dma_semaphore, #tpu.memory_space<semaphore_mem>> -> memref<1x!tpu.dma_semaphore, #tpu.memory_space<semaphore_mem>>
    %dma_start3A_254 = tpu.memref_squeeze %dma_start3A_253 : memref<1x!tpu.dma_semaphore, #tpu.memory_space<semaphore_mem>> -> memref<!tpu.dma_semaphore, #tpu.memory_space<semaphore_mem>>
    %dma_start3A_255 = arith.constant 4 : i32
    %dma_start3A_256 = arith.constant 0 : i32
    %dma_start3A_257 = tpu.memref_slice %arg4[%arg1, %dma_start3A_255, %dma_start3A_256] : memref<16x8x128xf32, #tpu.memory_space<hbm>> -> memref<1x4x128xf32, #tpu.memory_space<hbm>>
    %dma_start3A_258 = tpu.memref_squeeze %dma_start3A_257 : memref<1x4x128xf32, #tpu.memory_space<hbm>> -> memref<4x128xf32, #tpu.memory_space<hbm>>
    %dma_start3A_259 = arith.constant 4 : i32
    %dma_start3A_260 = arith.constant 0 : i32
    %dma_start3A_261 = tpu.memref_slice %arg6[%dma_start3A_259, %dma_start3A_260] : memref<8x128xf32, #tpu.memory_space<vmem>> -> memref<4x128xf32, #tpu.memory_space<vmem>>
    tpu.enqueue_dma source(%dma_start3A_261 : memref<4x128xf32, #tpu.memory_space<vmem>>) target(%dma_start3A_258 : memref<4x128xf32, #tpu.memory_space<hbm>>) target_semaphore(%dma_start3A_254 : memref<!tpu.dma_semaphore, #tpu.memory_space<semaphore_mem>>)
    %dma_wait3A_262 = arith.constant 0 : i32
    %dma_wait3A_263 = arith.constant 0 : i32
    %dma_wait3A_264 = arith.constant 0 : i32
    %dma_wait3A_265 = tpu.memref_slice %arg6[%dma_wait3A_263, %dma_wait3A_264] : memref<8x128xf32, #tpu.memory_space<vmem>> -> memref<4x128xf32, #tpu.memory_space<vmem>>
    %dma_wait3A_266 = arith.constant 0 : i32
    %dma_wait3A_267 = arith.constant 0 : i32
    %dma_wait3A_268 = tpu.memref_slice %arg4[%arg1, %dma_wait3A_266, %dma_wait3A_267] : memref<16x8x128xf32, #tpu.memory_space<hbm>> -> memref<1x4x128xf32, #tpu.memory_space<hbm>>
    %dma_wait3A_269 = tpu.memref_squeeze %dma_wait3A_268 : memref<1x4x128xf32, #tpu.memory_space<hbm>> -> memref<4x128xf32, #tpu.memory_space<hbm>>
    %dma_wait3A_270 = tpu.memref_slice %arg7[%dma_wait3A_262] : memref<8x!tpu.dma_semaphore, #tpu.memory_space<semaphore_mem>> -> memref<1x!tpu.dma_semaphore, #tpu.memory_space<semaphore_mem>>
    %dma_wait3A_271 = tpu.memref_squeeze %dma_wait3A_270 : memref<1x!tpu.dma_semaphore, #tpu.memory_space<semaphore_mem>> -> memref<!tpu.dma_semaphore, #tpu.memory_space<semaphore_mem>>
    %dma_wait3A_272 = arith.constant 0 : i32
    %dma_wait3A_273 = arith.constant 0 : i32
    %dma_wait3A_274 = tpu.memref_slice %arg4[%arg1, %dma_wait3A_272, %dma_wait3A_273] : memref<16x8x128xf32, #tpu.memory_space<hbm>> -> memref<1x4x128xf32, #tpu.memory_space<hbm>>
    %dma_wait3A_275 = tpu.memref_squeeze %dma_wait3A_274 : memref<1x4x128xf32, #tpu.memory_space<hbm>> -> memref<4x128xf32, #tpu.memory_space<hbm>>
    %dma_wait3A_276 = arith.constant 0 : i32
    %dma_wait3A_277 = arith.constant 0 : i32
    %dma_wait3A_278 = tpu.memref_slice %arg6[%dma_wait3A_276, %dma_wait3A_277] : memref<8x128xf32, #tpu.memory_space<vmem>> -> memref<4x128xf32, #tpu.memory_space<vmem>>
    tpu.wait_dma2 semaphore(%dma_wait3A_271 : memref<!tpu.dma_semaphore, #tpu.memory_space<semaphore_mem>>) src(%dma_wait3A_278 : memref<4x128xf32, #tpu.memory_space<vmem>>) dst(%dma_wait3A_275 : memref<4x128xf32, #tpu.memory_space<hbm>>)
    %dma_wait3A_279 = arith.constant 1 : i32
    %dma_wait3A_280 = arith.constant 4 : i32
    %dma_wait3A_281 = arith.constant 0 : i32
    %dma_wait3A_282 = tpu.memref_slice %arg6[%dma_wait3A_280, %dma_wait3A_281] : memref<8x128xf32, #tpu.memory_space<vmem>> -> memref<4x128xf32, #tpu.memory_space<vmem>>
    %dma_wait3A_283 = arith.constant 4 : i32
    %dma_wait3A_284 = arith.constant 0 : i32
    %dma_wait3A_285 = tpu.memref_slice %arg4[%arg1, %dma_wait3A_283, %dma_wait3A_284] : memref<16x8x128xf32, #tpu.memory_space<hbm>> -> memref<1x4x128xf32, #tpu.memory_space<hbm>>
    %dma_wait3A_286 = tpu.memref_squeeze %dma_wait3A_285 : memref<1x4x128xf32, #tpu.memory_space<hbm>> -> memref<4x128xf32, #tpu.memory_space<hbm>>
    %dma_wait3A_287 = tpu.memref_slice %arg7[%dma_wait3A_279] : memref<8x!tpu.dma_semaphore, #tpu.memory_space<semaphore_mem>> -> memref<1x!tpu.dma_semaphore, #tpu.memory_space<semaphore_mem>>
    %dma_wait3A_288 = tpu.memref_squeeze %dma_wait3A_287 : memref<1x!tpu.dma_semaphore, #tpu.memory_space<semaphore_mem>> -> memref<!tpu.dma_semaphore, #tpu.memory_space<semaphore_mem>>
    %dma_wait3A_289 = arith.constant 4 : i32
    %dma_wait3A_290 = arith.constant 0 : i32
    %dma_wait3A_291 = tpu.memref_slice %arg4[%arg1, %dma_wait3A_289, %dma_wait3A_290] : memref<16x8x128xf32, #tpu.memory_space<hbm>> -> memref<1x4x128xf32, #tpu.memory_space<hbm>>
    %dma_wait3A_292 = tpu.memref_squeeze %dma_wait3A_291 : memref<1x4x128xf32, #tpu.memory_space<hbm>> -> memref<4x128xf32, #tpu.memory_space<hbm>>
    %dma_wait3A_293 = arith.constant 4 : i32
    %dma_wait3A_294 = arith.constant 0 : i32
    %dma_wait3A_295 = tpu.memref_slice %arg6[%dma_wait3A_293, %dma_wait3A_294] : memref<8x128xf32, #tpu.memory_space<vmem>> -> memref<4x128xf32, #tpu.memory_space<vmem>>
    tpu.wait_dma2 semaphore(%dma_wait3A_288 : memref<!tpu.dma_semaphore, #tpu.memory_space<semaphore_mem>>) src(%dma_wait3A_295 : memref<4x128xf32, #tpu.memory_space<vmem>>) dst(%dma_wait3A_292 : memref<4x128xf32, #tpu.memory_space<hbm>>)
    return
  }
}

</mosaic_0001>

<sc_bundles>
// kernel: kernel.3.cloned.1.call-start
scs
__scs_entry_jumppad:
0x0: {  	(pc) =	sbr.rel $0x88, $3  }
0x1: {  	(tag) =	ssettag $0x0;
	lr =	simm.s32 $0x1  }
0x2: {  	[smem:$0x3F9F] =	sst lr;
	_ =	strace $0xD0000000  }
0x3: {  	_ = 	snop  }
0x4: {  	_ = 	snop  }
0x5: {  	_ = 	snop  }
0x6: {  	_ = 	snop  }
0x7: {  	_ = 	snop  }
__scs_overlays_trampoline_lowered:
0x8: {  	[smem:$0x3FAE] =	sst s0  }
0x9: {  	[smem:$0x3FAF] =	sst s1  }
0xa: {  	[smem:$0x3FB0] =	sst s2  }
0xb: {  	[smem:$0x3FB1] =	sst s3  }
0xc: {  	[smem:$0x3FB2] =	sst s4  }
0xd: {  	[smem:$0x3FB3] =	sst s5  }
0xe: {  	[smem:$0x3FB4] =	sst s6  }
0xf: {  	[smem:$0x3FB5] =	sst s7  }
0x10: {  	[smem:$0x3FB6] =	sst s8  }
0x11: {  	[smem:$0x3FB7] =	sst s9;
	s0 =	simm.s32 @!p0 $0x0  }
0x12: {  	s1 =	sld [smem:$0x3F9D];
	s0 =	simm.s32 @p0 $0x1  }
0x13: {  	[smem:$0x3FB8] =	sst s0;
	s0 =	simm.s32 @!p1 $0x0  }
0x14: {  	s2 =	sld [smem:$0x3F9C];
	s0 =	simm.s32 @p1 $0x1  }
0x15: {  	[smem:$0x3FB9] =	sst s0;
	s0 =	simm.s32 @!p2 $0x0  }
0x16: {  	s3 =	sld [smem:$0x3FDB];
	s0 =	simm.s32 @p2 $0x1  }
0x17: {  	s4 =	simm.s32 $0x1BF5;
	[smem:$0x3FBB] =	sst s0  }
0x18: {  	s0 =	sld [smem:$0x3F9E];
	_ =	swait.ge [sflag:s4], $0x0  }
0x19: {  	s7 =	sld [smem:$0x3F9F]  }
0x1a: {  	s8 =	sadd.s32 $0xFFFFE003, lr  }
0x1b: {  	s9 =	sadd.s32 $0xFFFFFEF7, lr;
	s5 =	simm.s32 $0xFFFFFFFF;
	p2 =	slt.u32 s8, $0xFFFFF086  }
0x1c: {  	p1 =	slt.u32 s9, $0xF7A;
	s5 =	simm.s32 @!p2 $0x0  }
0x1d: {  	s5 =	simm.s32 @p1 $0x1;
	p0 =	seq.s32 s7, s2  }
0x1e: {  	s7 =	smul.u32 @!p0 $0xF7A, s2;
	p2 =	seq.s32 @!p0 s5, $0x0  }
0x1f: {  	s9 =	smul.u32 $0xF7A, s1;
	s8 =	simm.s32 @!p0 $0x1BF5;
	p2 =	por !p2, p0  }
0x20: {  	[sflag:s8] =	ssyncset.s32 @!p0 $0xFFFFF086;
	s6 =	sadd.s32 @!p0 s3, s7;
	s7 =	simm.s32 @!p0 $0x108  }
0x21: {  	s3 =	sadd.s32 s3, s9;
	s6 =	sadd.s32 @!p0 $0x88, s6;
	s7 =	simm.s32 @p2 $0x1082  }
0x22: {  	[simem:s7], [sflag:s8] =	dma.local @!p0 [hbm:s6], $0xF7A  }
0x23: {  	s9 =	sor.u32 $0xD0000000, s2;
	s6 =	simm.s32 $0x108;
	_ =	swait.ge @!p0 [sflag:s8], $0x0  }
0x24: {  	s3 =	sadd.s32 $0x88, s3;
	s6 =	simm.s32 @!p1 $0x1082;
	[sflag:s4] =	ssyncset.s32 $0xFFFFF086  }
0x25: {  	[simem:s6], [sflag:s4] =	dma.local [hbm:s3], $0xF7A  }
0x26: {  	[smem:$0x3F9F] =	sst s1;
	(tag) =	ssettag s2;
	_ =	strace s9  }
0x27: {  	s1 =	sld [smem:$0x3FAF]  }
0x28: {  	s2 =	sld [smem:$0x3FB0]  }
0x29: {  	s4 =	sld [smem:$0x3FB2]  }
0x2a: {  	p0 =	seq.s32 s5, $0x0;
	s5 =	sld [smem:$0x3FB3]  }
0x2b: {  	s6 =	sld [smem:$0x3FB4]  }
0x2c: {  	s7 =	sld [smem:$0x3FB5]  }
0x2d: {  	s3 =	simm.s32 $0x108;
	s8 =	sld [smem:$0x3FB6]  }
0x2e: {  	s3 =	simm.s32 @!p0 $0x1082;
	s9 =	sld [smem:$0x3FB7]  }
0x2f: {  	lr =	sadd.s32 s0, s3;
	s0 =	sld [smem:$0x3FAE]  }
0x30: {  	s3 =	sld [smem:$0x3FB1]  }
0x31: {  	[smem:$0x3FBA] =	sst s10  }
0x32: {  	s10 =	sld [smem:$0x3FB8];
	_ =	sdelay $0x3  }
0x33: {  	p0 =	seq.s32 s10, $0x1;
	s10 =	sld [smem:$0x3FBA];
	_ =	sdelay $0x3  }
0x34: {  	[smem:$0x3FBA] =	sst s10  }
0x35: {  	s10 =	sld [smem:$0x3FB9];
	_ =	sdelay $0x3  }
0x36: {  	p1 =	seq.s32 s10, $0x1;
	s10 =	sld [smem:$0x3FBA];
	_ =	sdelay $0x3  }
0x37: {  	[smem:$0x3FBA] =	sst s10  }
0x38: {  	s10 =	sld [smem:$0x3FBB]  }
0x39: {  	_ = 	snop;
	(pc) =	sbr.ind lr, $3  }
0x3a: {  	_ = 	snop  }
0x3b: {  	_ = 	snop  }
0x3c: {  	p2 =	seq.s32 s10, $0x1;
	s10 =	sld [smem:$0x3FBA]  }
0x3d: {  	_ =	shalt  }
0x3e: {  	_ =	shalt  }
0x3f: {  	_ =	shalt  }
0x40: {  	_ =	shalt  }
0x41: {  	_ =	shalt  }
0x42: {  	_ =	shalt  }
0x43: {  	_ =	shalt  }
0x44: {  	_ =	shalt  }
0x45: {  	_ =	shalt  }
0x46: {  	_ =	shalt  }
0x47: {  	_ =	shalt  }
0x48: {  	_ =	shalt  }
0x49: {  	_ =	shalt  }
0x4a: {  	_ =	shalt  }
0x4b: {  	_ =	shalt  }
0x4c: {  	_ =	shalt  }
0x4d: {  	_ =	shalt  }
0x4e: {  	_ =	shalt  }
0x4f: {  	_ =	shalt  }
0x50: {  	_ =	shalt  }
0x51: {  	_ =	shalt  }
0x52: {  	_ =	shalt  }
0x53: {  	_ =	shalt  }
0x54: {  	_ =	shalt  }
0x55: {  	_ =	shalt  }
0x56: {  	_ =	shalt  }
0x57: {  	_ =	shalt  }
0x58: {  	_ =	shalt  }
0x59: {  	_ =	shalt  }
0x5a: {  	_ =	shalt  }
0x5b: {  	_ =	shalt  }
0x5c: {  	_ =	shalt  }
0x5d: {  	_ =	shalt  }
0x5e: {  	_ =	shalt  }
0x5f: {  	_ =	shalt  }
0x60: {  	_ =	shalt  }
0x61: {  	_ =	shalt  }
0x62: {  	_ =	shalt  }
0x63: {  	_ =	shalt  }
0x64: {  	_ =	shalt  }
0x65: {  	_ =	shalt  }
0x66: {  	_ =	shalt  }
0x67: {  	_ =	shalt  }
0x68: {  	_ =	shalt  }
0x69: {  	_ =	shalt  }
0x6a: {  	_ =	shalt  }
0x6b: {  	_ =	shalt  }
0x6c: {  	_ =	shalt  }
0x6d: {  	_ =	shalt  }
0x6e: {  	_ =	shalt  }
0x6f: {  	_ =	shalt  }
0x70: {  	_ =	shalt  }
0x71: {  	_ =	shalt  }
0x72: {  	_ =	shalt  }
0x73: {  	_ =	shalt  }
0x74: {  	_ =	shalt  }
0x75: {  	_ =	shalt  }
0x76: {  	_ =	shalt  }
0x77: {  	_ =	shalt  }
0x78: {  	_ =	shalt  }
0x79: {  	_ =	shalt  }
0x7a: {  	_ =	shalt  }
0x7b: {  	_ =	shalt  }
0x7c: {  	_ =	shalt  }
0x7d: {  	_ =	shalt  }
0x7e: {  	_ =	shalt  }
0x7f: {  	_ =	shalt  }
0x80: {  	_ =	shalt  }
0x81: {  	_ =	shalt  }
0x82: {  	_ =	shalt  }
0x83: {  	_ =	shalt  }
0x84: {  	_ =	shalt  }
0x85: {  	_ =	shalt  }
0x86: {  	_ =	shalt  }
0x87: {  	_ =	shalt  }
.Lfunc_end0:
.L_simem_size_0:
called_computation_lowered:
.L_overlay_start_0:
0x88: {  	s0 =	sld [smem:$0x3FD9]  }
0x89: {  	s1 =	sld [smem:$0x3FFE];
	_ =	sdelay $0x3  }
0x8a: {  	s0 =	sadd.s32 s1, s0  }
0x8b: {  	[smem:$0x3FC6] =	sst s0  }
0x8c: {  	_ = 	snop  }
0x8d: {  	s0 =	sld [smem:$0x3FC9]  }
0x8e: {  	s17 =	sld [smem:$0x3FC8]  }
0x8f: {  	s2 =	sld [smem:$0x3FD0];
	(tm) =	ssettm $0x1  }
0x90: {  	s3 =	sld [smem:$0x3FFB];
	_ =	sdelay $0x3  }
0x91: {  	_ =	strace s3  }
0x92: {  	s3 =	sld [smem:$0x3FFC];
	_ =	sdelay $0x3  }
0x93: {  	_ =	strace s3  }
0x94: {  	s3 =	sld [smem:$0x3FFD];
	_ =	sdelay $0x3  }
0x95: {  	_ =	strace s3  }
0x96: {  	_ =	strace $0x8FFFFFFF  }
0x97: {  	s18 =	sld [smem:$0x3FDB];
	_ =	sdelay $0x1  }
0x98: {  	s4 =	simm.s32 $_scs_section_size  }
0x99: {  	s5 =	simm.s32 $_size__tile_overlayer_lowered;
	s6 =	simm.s32 $_tile_overlayer_lowered  }
0x9a: {  	s21 =	simm.s32 $0x1BFF;
	s20 =	sshll.u32 s6, $0x1;
	s3 =	sadd.s32 s4, s18  }
0x9b: {  	s7 =	simm.s32 $0x0;
	s19 =	sshll.u32 s5, $0x1;
	s5 =	sadd.s32 s20, s3  }
0x9c: {  	[timem:s7], [sflag:s21] =	dma.local [hbm:s5], s19  }
0x9d: {  	_ =	swait.ge [sflag:s21], s19  }
0x9e: {  	s4 =	ssub.s32 $0x0, s19;
	[sflag:s21] =	ssyncset.done $0x0  }
0x9f: {  	[sflag:s21] =	ssyncadd.s32 s4;
	_ =	sdelay $0x1  }
0xa0: {  	s22 =	simm.s32 $0x1B8B  }
0xa1: {  	_ =	swait.ge [sflag:s22], $0x1  }
0xa2: {  	[sflag:s22] =	ssyncset.done $0x0  }
0xa3: {  	s23 =	simm.s32 $0x1B8E;
	[sflag:s22] =	ssyncadd.s32 $0xFFFFFFFF  }
0xa4: {  	s24 =	simm.s32 $execute0_lowered;
	[smem:$0x3FD2] =	sst s23  }
0xa5: {  	s4 =	sshll.u32 s24, $0x1;
	_ =	strace $0x80000046;
	[dreg:$0x1] =	wrdreg $0xFFFFFFFF  }
0xa6: {  	s25 =	simm.s32 $_size_execute0_lowered;
	s3 =	sadd.s32 s3, s4;
	[dreg:$0x0] =	wrdreg $0x0  }
0xa7: {  	s4 =	sshll.u32 s25, $0x1;
	[dreg:$0x2] =	wrdreg s3  }
0xa8: {  	[dreg:$0x3] =	wrdreg s4  }
0xa9: {  	[dreg:$0x4] =	wrdreg $0xC0  }
0xaa: {  	_ =	task [dreg:s7], $0x5FFFF  }
0xab: {  	[dreg:$0x1] =	wrdreg $0xFFFFFFFF  }
0xac: {  	[dreg:$0x0] =	wrdreg $0x60  }
0xad: {  	[dreg:$0x2] =	wrdreg s0  }
0xae: {  	[dreg:$0x3] =	wrdreg s17  }
0xaf: {  	[dreg:$0x4] =	wrdreg s2  }
0xb0: {  	[dreg:$0x5] =	wrdreg $0x9  }
0xb1: {  	_ =	task.clear_ibuf [dreg:s7], $0x6FFFF;
	_ =	strace $0x90000046  }
0xb2: {  	s26 =	simm.s32 $0x9;
	_ =	strace $0x80000048  }
0xb3: {  	_ =	swait.ge [sflag:s26], $0x1  }
0xb4: {  	[sflag:s26] =	ssyncadd.s32 $0xFFFFFFFF  }
0xb5: {  	_ =	strace $0x90000048  }
0xb6: {  	_ =	sfence  }
0xb7: {  	s28 =	sld [smem:$0x0];
	_ =	sdelay $0x1  }
0xb8: {  	s29 =	srdreg.scid  }
0xb9: {  	s30 =	sshll.u32 s29, $0xD;
	s31 =	sshrl.u32 s29, $0x2  }
0xba: {  	s1 =	sand.u32 $0x1, s29;
	s2 =	sand.u32 $0x4000, s30;
	s0 =	sadd.s32 s31, s28  }
0xbb: {  	s1 =	sor.u32 s2, s1;
	s0 =	sshll.u32 s0, $0x11  }
0xbc: {  	s0 =	sor.u32 s0, s1  }
0xbd: {  	s0 =	sadd.s32 $0x8F2B, s0  }
0xbe: {  	[sflag:s0] =	ssyncadd.remote.s32 $0x1  }
0xbf: {  	_ =	sfence.sel $0xFFFF  }
0xc0: {  	[dreg:$0x0] =	wrdreg $0xFFFFFFFF;
	(pc) =	sbr.abs _section_cstart, $3  }
0xc1: {  	[dreg:$0x1] =	wrdreg $0xFFFFFFFF  }
0xc2: {  	_ =	task.clear_ibuf [dreg:s7], $0x2FFFF;
	_ =	strace $0x9FFFFFFF  }
0xc3: {  	(tm) =	ssettm $0x7FFFFFFF  }
tec
execute0_lowered:
.L_overlay_start_1:
0x0: {  	(tag) =	ssettag $0x1  }
0x1: {  	s3 =	rddreg [dreg:$0x0]  }
0x2: {  	s4 =	rddreg [dreg:$0x1]  }
0x3: {  	s5 =	rddreg [dreg:$0x2]  }
0x4: {  	s0 =	rddreg [dreg:$0x3];
	s2 =	simm.s32 $0x0;
	s1 =	stileid.u32  }
0x5: {  	[smem:$0x7FF] =	sst s2;
	s6 =	sshll.u32 s1, $0x7  }
0x6: {  	s13 =	simm.s32 $0x1;
	_ =	strace $0x80000047;
	s3 =	sadd.s32 s3, s6  }
0x7: {  	[tilespmem:s2], [sflag:$0x1] =	stream.linear.gather [hbm4b:s3+s2], $0x400, $0x38;
	[tilespmem:$0x800] =	vst v63  }
0x8: {  	_ =	swait.ge [sflag:s13], $0x400  }
0x9: {  	[sflag:s13] =	ssyncset.done $0x0  }
0xa: {  	s7 =	simm.s32 $0x80;
	s8 =	simm.s32 $0x400;
	[sflag:s13] =	ssyncadd.s32 $0xFFFFFC00  }
0xb: {  	[tilespmem:s8], [sflag:$0x1] =	stream.indirect.gather [hbm4b:s4+s7], $0x1, s2, s7, $0xb8;
	[tilespmem:$0x800] =	vst v63  }
0xc: {  	s9 =	simm.s32 $0x480  }
0xd: {  	[tilespmem:s9], [sflag:$0x2] =	stream.indirect.gather [hbm4b:s4+s7], $0x1, s7, s7, $0xb8;
	[tilespmem:$0x800] =	vst v63  }
0xe: {  	s14 =	simm.s32 $0x100;
	s10 =	simm.s32 $0x500  }
0xf: {  	[tilespmem:s10], [sflag:$0x3] =	stream.indirect.gather [hbm4b:s4+s7], $0x1, s14, s7, $0xb8;
	[tilespmem:$0x800] =	vst v63  }
0x10: {  	s15 =	simm.s32 $0x180;
	s16 =	simm.s32 $0x580  }
0x11: {  	[tilespmem:s16], [sflag:$0x4] =	stream.indirect.gather [hbm4b:s4+s7], $0x1, s15, s7, $0xb8;
	[tilespmem:$0x800] =	vst v63  }
0x12: {  	s17 =	simm.s32 $0x200;
	s18 =	simm.s32 $0x600  }
0x13: {  	[tilespmem:s18], [sflag:$0x5] =	stream.indirect.gather [hbm4b:s4+s7], $0x1, s17, s7, $0xb8;
	[tilespmem:$0x800] =	vst v63  }
0x14: {  	s19 =	simm.s32 $0x280;
	s11 =	simm.s32 $0x680  }
0x15: {  	[tilespmem:s11], [sflag:$0x6] =	stream.indirect.gather [hbm4b:s4+s7], $0x1, s19, s7, $0xb8;
	[tilespmem:$0x800] =	vst v63  }
0x16: {  	s20 =	simm.s32 $0x300;
	s21 =	simm.s32 $0x700  }
0x17: {  	[tilespmem:s21], [sflag:$0x7] =	stream.indirect.gather [hbm4b:s4+s7], $0x1, s20, s7, $0xb8;
	[tilespmem:$0x800] =	vst v63  }
0x18: {  	s22 =	simm.s32 $0x380;
	s23 =	simm.s32 $0x780  }
0x19: {  	[tilespmem:s23], [sflag:$0x8] =	stream.indirect.gather [hbm4b:s4+s7], $0x1, s22, s7, $0xb8;
	[tilespmem:$0x800] =	vst v63  }
0x1a: {  	_ =	swait.ge [sflag:s13], $0x80  }
0x1b: {  	[sflag:s13] =	ssyncset.done $0x0  }
0x1c: {  	s24 =	simm.s32 $0x2;
	[sflag:s13] =	ssyncadd.s32 $0xFFFFFF80  }
0x1d: {  	_ =	swait.ge [sflag:s24], $0x80  }
0x1e: {  	[sflag:s24] =	ssyncset.done $0x0  }
0x1f: {  	s25 =	simm.s32 $0x3;
	[sflag:s24] =	ssyncadd.s32 $0xFFFFFF80  }
0x20: {  	_ =	swait.ge [sflag:s25], $0x80  }
0x21: {  	[sflag:s25] =	ssyncset.done $0x0  }
0x22: {  	s26 =	simm.s32 $0x4;
	[sflag:s25] =	ssyncadd.s32 $0xFFFFFF80  }
0x23: {  	_ =	swait.ge [sflag:s26], $0x80  }
0x24: {  	[sflag:s26] =	ssyncset.done $0x0  }
0x25: {  	s28 =	simm.s32 $0x5;
	s5 =	sadd.s32 s5, s6;
	[sflag:s26] =	ssyncadd.s32 $0xFFFFFF80  }
0x26: {  	[hbm4b:s5+s2] =	stream.linear.scatter [tilespmem:s8], [sflag:$0x1], $0x200, $0x38;
	[tilespmem:$0x800] =	vst v63  }
0x27: {  	_ =	swait.ge [sflag:s28], $0x80  }
0x28: {  	[sflag:s28] =	ssyncset.done $0x0  }
0x29: {  	s29 =	simm.s32 $0x6;
	[sflag:s28] =	ssyncadd.s32 $0xFFFFFF80  }
0x2a: {  	_ =	swait.ge [sflag:s29], $0x80  }
0x2b: {  	[sflag:s29] =	ssyncset.done $0x0  }
0x2c: {  	s30 =	simm.s32 $0x7;
	[sflag:s29] =	ssyncadd.s32 $0xFFFFFF80  }
0x2d: {  	_ =	swait.ge [sflag:s30], $0x80  }
0x2e: {  	[sflag:s30] =	ssyncset.done $0x0  }
0x2f: {  	s31 =	simm.s32 $0x8;
	[sflag:s30] =	ssyncadd.s32 $0xFFFFFF80  }
0x30: {  	_ =	swait.ge [sflag:s31], $0x80  }
0x31: {  	[sflag:s31] =	ssyncset.done $0x0  }
0x32: {  	s5 =	sadd.s32 $0x40, s5;
	[sflag:s31] =	ssyncadd.s32 $0xFFFFFF80  }
0x33: {  	[hbm4b:s5+s2] =	stream.linear.scatter [tilespmem:s18], [sflag:$0x2], $0x200, $0x38;
	[tilespmem:$0x800] =	vst v63  }
0x34: {  	_ =	swait.ge [sflag:s13], $0x200  }
0x35: {  	[sflag:s13] =	ssyncset.done $0x0  }
0x36: {  	[sflag:s13] =	ssyncadd.s32 $0xFFFFFE00  }
0x37: {  	_ =	swait.ge [sflag:s24], $0x200  }
0x38: {  	[sflag:s24] =	ssyncset.done $0x0  }
0x39: {  	[sflag:s24] =	ssyncadd.s32 $0xFFFFFE00  }
0x3a: {  	_ =	sfence.sel $0x180000  }
0x3b: {  	[bflag:$0x0] =	sbarrier.arrive $0xFFFF  }
0x3c: {  	p0 =	sne.s32 s1, $0x0;
	_ =	strace $0x90000047  }
0x3d: {  	s0 =	sadd.s32 @!p0 $0x100000, s0;
	[bflag:$0x2] =	sbarrier.arrive $0xFFFF  }
0x3e: {  	[sflag:s0] =	ssyncadd.tile.s32 @!p0 $0x1;
	_ =	shalt  }
.Lfunc_end2:
_tile_overlayer_lowered:
.L_overlay_start_2:
0x3f: {  	(tag) =	ssettag $0x2  }
0x40: {  	s0 =	rddreg [dreg:$0x0];
	s2 =	stileid.u32  }
0x41: {  	s1 =	rddreg [dreg:$0x1];
	p0 =	sne.s32 s2, $0x0  }
0x42: {  	s3 =	rddreg [dreg:$0x2];
	[bflag:$0x3] =	sbarrier.arrive $0xFFFF;
	s2 =	simm.s32 @!p0 $0x1C09  }
0x43: {  	[timem:s3], [sflag:s2] =	dma.local @!p0 [hbm:s0], s1  }
0x44: {  	s0 =	simm.s32 @!p0 $0x9  }
0x45: {  	_ =	swait.ge @!p0 [sflag:s0], s1  }
0x46: {  	s1 =	ssub.s32 @!p0 $0x0, s1;
	[sflag:s0] =	ssyncset.done @!p0 $0x0  }
0x47: {  	[sflag:s0] =	ssyncadd.s32 @!p0 s1  }
0x48: {  	[bflag:$0x3] =	sbarrier.arrive $0xFFFF  }
0x49: {  	_ =	shalt  }

</sc_bundles>
